<compile_context>
chip_gen: v7x
topology: tpu7x:2x2x1
jax: 0.10.2.dev20260603
libtpu: 0.0.44.dev20260713+nightly
codegen_flags: <defaults>
</compile_context>

<pallas_src>
import functools

import jax
import jax.numpy as jnp
import numpy as np
from jax import lax
from jax.experimental import pallas as pl
from jax.experimental.pallas import tpu as pltpu
from jax.experimental.pallas import tpu_sc as plsc

S = 256
A = 8
D = 16
B = 8192
GAMMA = 0.99
ACTION_COST = 0.1
TERMINAL = 0

Dp1 = D + 1
TBL = A * Dp1 * S

NC = 2
NS = 16
NW = NC * NS
B_PER_W = B // NW
L = 16


def _table_body(w_ref, eT_ref, rl_ref, p_ref):
    rl = rl_ref[0, 0, :]
    col = lax.broadcasted_iota(jnp.int32, (S,), 0)
    r0 = jnp.where(col == TERMINAL, jnp.float32(0.0), rl)
    eT = eT_ref[0].reshape(D * S, S)
    m = lax.dot_general(
        eT, r0.reshape(S, 1),
        (((1,), (0,)), ((), ())),
        preferred_element_type=jnp.float32,
    ).reshape(D, S)
    acc = lax.dot_general(
        w_ref[...], m,
        (((1,), (0,)), ((), ())),
        preferred_element_type=jnp.float32,
    )
    p_ref[0] = acc + r0[None, :]


def _build_table(expanded_T, reward_lookup):
    w = np.zeros((Dp1, D), dtype=np.float32)
    for d in range(Dp1):
        for dp in range(d):
            w[d, dp] = GAMMA ** (dp + 1)
    w = jnp.asarray(w)
    rl3 = reward_lookup.reshape(A, 1, S)
    return pl.pallas_call(
        _table_body,
        grid=(A,),
        in_specs=[
            pl.BlockSpec((Dp1, D), lambda a: (0, 0)),
            pl.BlockSpec((1, D, S, S), lambda a: (a, 0, 0, 0)),
            pl.BlockSpec((1, 1, S), lambda a: (a, 0, 0)),
        ],
        out_specs=pl.BlockSpec((1, Dp1, S), lambda a: (a, 0, 0)),
        out_shape=jax.ShapeDtypeStruct((A, Dp1, S), jnp.float32),
        compiler_params=pltpu.CompilerParams(
            dimension_semantics=("arbitrary",),
        ),
    )(w, expanded_T, rl3)


def _gather_body(p_hbm, s_hbm, a_hbm, d_hbm, out_hbm, tbl, sv, av, dv, ov):
    wid = lax.axis_index("s") * NC + lax.axis_index("c")
    base = wid * B_PER_W
    pltpu.sync_copy(p_hbm, tbl)
    pltpu.sync_copy(s_hbm.at[pl.ds(base, B_PER_W)], sv)
    pltpu.sync_copy(a_hbm.at[pl.ds(base, B_PER_W)], av)
    pltpu.sync_copy(d_hbm.at[pl.ds(base, B_PER_W)], dv)

    def body(i, carry):
        sl = pl.ds(i * L, L)
        s = sv[sl]
        a = av[sl]
        dd = dv[sl]
        idx = (a * Dp1 + dd) * S + s
        val = plsc.load_gather(tbl, [idx])
        cost = jnp.where(s == TERMINAL, jnp.float32(0.0), jnp.float32(ACTION_COST))
        ov[sl] = val - cost
        return carry

    lax.fori_loop(0, B_PER_W // L, body, 0)
    pltpu.sync_copy(ov, out_hbm.at[pl.ds(base, B_PER_W)])


def _gather(p_flat, states, actions, deltas):
    mesh = plsc.VectorSubcoreMesh(core_axis_name="c", subcore_axis_name="s")
    k = functools.partial(
        pl.kernel,
        mesh=mesh,
        out_type=jax.ShapeDtypeStruct((B,), jnp.float32),
        scratch_types=[
            pltpu.VMEM((TBL,), jnp.float32),
            pltpu.VMEM((B_PER_W,), jnp.int32),
            pltpu.VMEM((B_PER_W,), jnp.int32),
            pltpu.VMEM((B_PER_W,), jnp.int32),
            pltpu.VMEM((B_PER_W,), jnp.float32),
        ],
        compiler_params=pltpu.CompilerParams(needs_layout_passes=False),
    )(_gather_body)
    return k(p_flat, states, actions, deltas)


def kernel(expanded_T, reward_lookup, states, actions, deltas):
    p = _build_table(expanded_T, reward_lookup)
    idx = (actions * Dp1 + deltas) * S + states
    return p.reshape(TBL)[idx] - jnp.where(states == TERMINAL, 0.0, ACTION_COST).astype(jnp.float32)

# --- scband reference (transcript-rebuilt; emitter-appended) ---
"""Pipeline reference for scband-condensed-reward-model-54460185313721 (READ-ONLY COPY).

The authoritative reference and input builder live on the scoring server;
editing this copy changes nothing except your own understanding.
"""

import jax, jax.numpy as jnp
import numpy as np

S = 256
A = 8
D = 16
B = 8192
GAMMA = 0.99
ACTION_COST = 0.1
TERMINAL = 0


def setup_inputs(seed: int = 0) -> dict:
    key = jax.random.key(seed)
    k1, k2, k3, k4 = jax.random.split(key, 4)
    states = jax.random.randint(k1, (B,), 0, S)
    actions = jax.random.randint(k2, (B,), 0, A)
    deltas = jax.random.randint(k3, (B,), 0, D + 1)
    eT = jax.random.uniform(k4, (A, D, S, S), dtype=jnp.float32)
    eT = eT / eT.sum(-1, keepdims=True)
    # learned parameter (oracle_reward_lookup=False path): -1 everywhere, 0 at terminal state
    reward_lookup = jnp.full((A, S), -1.0, dtype=jnp.float32).at[:, TERMINAL].set(0.0)
    return {
        "expanded_T": eT,
        "reward_lookup": reward_lookup,
        "states": states,
        "actions": actions,
        "deltas": deltas,
    }


def reference(expanded_T, reward_lookup, states, actions, deltas):
    # Faithful translation of CondensedRewardModel.get_prediction_batch
    A_, D_, S_, _ = expanded_T.shape
    I = jnp.broadcast_to(jnp.eye(S_, dtype=expanded_T.dtype)[None, None, :, :], (A_, 1, S_, S_))
    T_full = jnp.concatenate([I, expanded_T], axis=1)  # [A, D+1, S, S]
    # advanced indexing: gather per-(action, state) transition rows -> [B, D+1, S]
    s2_probs = T_full[actions, :, states, :]
    Dp1 = D_ + 1
    discounts = GAMMA ** jnp.arange(Dp1, dtype=jnp.float32)  # [D+1]
    reward_vecs = reward_lookup[actions]  # [B, S] embedding lookup
    # terminal state gets terminal_reward = 0 (is_windygrid=False)
    reward_vecs = reward_vecs.at[:, TERMINAL].set(0.0)
    expected = s2_probs * discounts[None, :, None] * reward_vecs[:, None, :]
    expected = jnp.cumsum(expected, axis=1)  # [B, D+1, S]
    expected = expected[jnp.arange(states.shape[0]), deltas, :]  # [B, S]
    expected = expected.sum(axis=-1)  # [B]
    costs = jnp.where(states != TERMINAL, ACTION_COST, 0.0).astype(jnp.float32)
    return expected - costs

if __name__ == "__main__":
    import jax
    _d = setup_inputs()
    print(jax.jit(kernel)(*tuple(_d.values())))

</pallas_src>

<mosaic_0001>
module attributes {stable_mosaic.version = 14 : i64} {
  func.func @_table_body(%arg0: i32, %arg1: memref<17x16xf32, #tpu.memory_space<vmem>>, %arg2: memref<1x16x256x256xf32, #tpu.memory_space<vmem>>, %arg3: memref<1x1x256xf32, #tpu.memory_space<vmem>>, %arg4: memref<1x17x256xf32, #tpu.memory_space<vmem>>) attributes {dimension_semantics = [#tpu.dimension_semantics<arbitrary>], iteration_bounds = array<i64: 8>, scalar_prefetch = 0 : i64, scratch_operands = 0 : i64, tpu.core_type = #tpu.core_type<tc>, window_params = [{pipeline_mode = #tpu.pipeline_mode<synchronous>, transform_indices = @transform_0, window_bounds = array<i64: 17, 16>}, {transform_indices = @transform_1, window_bounds = array<i64: 1, 16, 256, 256>}, {transform_indices = @transform_2, window_bounds = array<i64: 1, 1, 256>}, {transform_indices = @transform_3, window_bounds = array<i64: 1, 17, 256>}]} {
    %get3A = arith.constant 0 : index
    %get3A_0 = arith.constant 0 : index
    %get3A_1 = arith.constant 0 : index
    %get3A_2 = vector.load %arg3[%get3A, %get3A_0, %get3A_1] : memref<1x1x256xf32, #tpu.memory_space<vmem>>, vector<1x1x256xf32>
    %get3A_3 = vector.shape_cast %get3A_2 : vector<1x1x256xf32> to vector<256xf32>
    %iota3A = tpu.iota {dimensions = array<i32: 1>} : vector<1x256xi32>
    %iota3A_4 = vector.shape_cast %iota3A : vector<1x256xi32> to vector<256xi32>
    %eq3A = arith.constant 0 : i32
    %eq3A_5 = vector.broadcast %eq3A : i32 to vector<256xi32>
    %eq3A_6 = arith.cmpi eq, %iota3A_4, %eq3A_5 : vector<256xi32>
    %jit3A = arith.constant 0.000000e+00 : f32
    %broadcast_in_dim3A = vector.broadcast %jit3A : f32 to vector<256xf32>
    %select_n3A = arith.select %eq3A_6, %broadcast_in_dim3A, %get3A_3 : vector<256xi1>, vector<256xf32>
    %get3A_7 = arith.constant 0 : index
    %get3A_8 = arith.constant 0 : index
    %get3A_9 = arith.constant 0 : index
    %get3A_10 = arith.constant 0 : index
    %get3A_11 = vector.load %arg2[%get3A_7, %get3A_8, %get3A_9, %get3A_10] : memref<1x16x256x256xf32, #tpu.memory_space<vmem>>, vector<1x16x256x256xf32>
    %get3A_12 = vector.shape_cast %get3A_11 : vector<1x16x256x256xf32> to vector<16x256x256xf32>
    %reshape3A = vector.shape_cast %get3A_12 : vector<16x256x256xf32> to vector<4096x256xf32>
    %reshape3A_13 = vector.shape_cast %select_n3A : vector<256xf32> to vector<256x1xf32>
    %dot_general3A = arith.constant dense<0.000000e+00> : vector<4096x1xf32>
    %dot_general3A_14 = tpu.matmul %reshape3A, %reshape3A_13, %dot_general3A {dimension_numbers = #tpu.dot_dimension_numbers<[1], [0], [0], [1], [0, 0, 1, 1], [], []>, transpose_lhs_hint = false} : vector<4096x256xf32>, vector<256x1xf32>, vector<4096x1xf32> -> vector<4096x1xf32>
    %reshape3A_15 = vector.shape_cast %dot_general3A_14 : vector<4096x1xf32> to vector<16x256xf32>
    %get3A_16 = arith.constant 0 : index
    %get3A_17 = arith.constant 0 : index
    %get3A_18 = vector.load %arg1[%get3A_16, %get3A_17] : memref<17x16xf32, #tpu.memory_space<vmem>>, vector<17x16xf32>
    %dot_general3A_19 = arith.constant dense<0.000000e+00> : vector<17x256xf32>
    %dot_general3A_20 = tpu.matmul %get3A_18, %reshape3A_15, %dot_general3A_19 {dimension_numbers = #tpu.dot_dimension_numbers<[1], [0], [0], [1], [0, 0, 1, 1], [], []>, transpose_lhs_hint = false} : vector<17x16xf32>, vector<16x256xf32>, vector<17x256xf32> -> vector<17x256xf32>
    %broadcast_in_dim3A_21 = vector.shape_cast %select_n3A : vector<256xf32> to vector<1x256xf32>
    %add3A = vector.broadcast %broadcast_in_dim3A_21 : vector<1x256xf32> to vector<17x256xf32>
    %add3A_22 = arith.addf %dot_general3A_20, %add3A : vector<17x256xf32>
    %swap3A = arith.constant 0 : index
    %swap3A_23 = arith.constant 0 : index
    %swap3A_24 = arith.constant 0 : index
    %swap3A_25 = vector.load %arg4[%swap3A, %swap3A_23, %swap3A_24] : memref<1x17x256xf32, #tpu.memory_space<vmem>>, vector<1x17x256xf32>
    %swap3A_26 = vector.shape_cast %swap3A_25 : vector<1x17x256xf32> to vector<17x256xf32>
    %swap3A_27 = vector.shape_cast %add3A_22 : vector<17x256xf32> to vector<1x17x256xf32>
    tpu.vector_store %arg4[%swap3A, %swap3A_23, %swap3A_24], %swap3A_27 {strides = array<i32>} : memref<1x17x256xf32, #tpu.memory_space<vmem>>, vector<1x17x256xf32>,
    return
  }
  func.func @transform_0(%arg0: i32) -> (i32, i32) {
    %c0_i32 = arith.constant 0 : i32
    %c0_i32_0 = arith.constant 0 : i32
    %c0_i32_1 = arith.constant 0 : i32
    return %c0_i32, %c0_i32_0 : i32, i32
  }
  func.func @transform_1(%arg0: i32) -> (i32, i32, i32, i32) {
    %c0_i32 = arith.constant 0 : i32
    %c0_i32_0 = arith.constant 0 : i32
    %c0_i32_1 = arith.constant 0 : i32
    %c0_i32_2 = arith.constant 0 : i32
    return %arg0, %c0_i32, %c0_i32_0, %c0_i32_1 : i32, i32, i32, i32
  }
  func.func @transform_2(%arg0: i32) -> (i32, i32, i32) {
    %c0_i32 = arith.constant 0 : i32
    %c0_i32_0 = arith.constant 0 : i32
    %c0_i32_1 = arith.constant 0 : i32
    return %arg0, %c0_i32, %c0_i32_0 : i32, i32, i32
  }
  func.func @transform_3(%arg0: i32) -> (i32, i32, i32) {
    %c0_i32 = arith.constant 0 : i32
    %c0_i32_0 = arith.constant 0 : i32
    %c0_i32_1 = arith.constant 0 : i32
    return %arg0, %c0_i32, %c0_i32_0 : i32, i32, i32
  }
}

</mosaic_0001>

<sc_bundles>
// kernel: gather_offload_async_start
scs
__scs_entry_jumppad:
0x0: {  	(pc) =	sbr.rel $0x88, $3  }
0x1: {  	(tag) =	ssettag $0x0;
	lr =	simm.s32 $0x1  }
0x2: {  	[smem:$0x3F9C] =	sst lr;
	_ =	strace $0xD0000000  }
0x3: {  	_ = 	snop  }
0x4: {  	_ = 	snop  }
0x5: {  	_ = 	snop  }
0x6: {  	_ = 	snop  }
0x7: {  	_ = 	snop  }
__scs_overlays_trampoline_lowered:
0x8: {  	[smem:$0x3FAB] =	sst s0  }
0x9: {  	[smem:$0x3FAC] =	sst s1  }
0xa: {  	[smem:$0x3FAD] =	sst s2  }
0xb: {  	[smem:$0x3FAE] =	sst s3  }
0xc: {  	[smem:$0x3FAF] =	sst s4  }
0xd: {  	[smem:$0x3FB0] =	sst s5  }
0xe: {  	[smem:$0x3FB1] =	sst s6  }
0xf: {  	[smem:$0x3FB2] =	sst s7  }
0x10: {  	[smem:$0x3FB3] =	sst s8  }
0x11: {  	[smem:$0x3FB4] =	sst s9;
	s0 =	simm.s32 @!p0 $0x0  }
0x12: {  	s1 =	sld [smem:$0x3F9A];
	s0 =	simm.s32 @p0 $0x1  }
0x13: {  	[smem:$0x3FB5] =	sst s0;
	s0 =	simm.s32 @!p1 $0x0  }
0x14: {  	s2 =	sld [smem:$0x3F99];
	s0 =	simm.s32 @p1 $0x1  }
0x15: {  	[smem:$0x3FB6] =	sst s0;
	s0 =	simm.s32 @!p2 $0x0  }
0x16: {  	s3 =	sld [smem:$0x3FDB];
	s0 =	simm.s32 @p2 $0x1  }
0x17: {  	s4 =	simm.s32 $0x1BF5;
	[smem:$0x3FB8] =	sst s0  }
0x18: {  	s0 =	sld [smem:$0x3F9B];
	_ =	swait.ge [sflag:s4], $0x0  }
0x19: {  	s7 =	sld [smem:$0x3F9C]  }
0x1a: {  	s8 =	sadd.s32 $0xFFFFE003, lr  }
0x1b: {  	s9 =	sadd.s32 $0xFFFFFEF7, lr;
	s5 =	simm.s32 $0xFFFFFFFF;
	p2 =	slt.u32 s8, $0xFFFFF086  }
0x1c: {  	p1 =	slt.u32 s9, $0xF7A;
	s5 =	simm.s32 @!p2 $0x0  }
0x1d: {  	s5 =	simm.s32 @p1 $0x1;
	p0 =	seq.s32 s7, s2  }
0x1e: {  	s7 =	smul.u32 @!p0 $0xF7A, s2;
	p2 =	seq.s32 @!p0 s5, $0x0  }
0x1f: {  	s9 =	smul.u32 $0xF7A, s1;
	s8 =	simm.s32 @!p0 $0x1BF5;
	p2 =	por !p2, p0  }
0x20: {  	[sflag:s8] =	ssyncset.s32 @!p0 $0xFFFFF086;
	s6 =	sadd.s32 @!p0 s3, s7;
	s7 =	simm.s32 @!p0 $0x108  }
0x21: {  	s3 =	sadd.s32 s3, s9;
	s6 =	sadd.s32 @!p0 $0x88, s6;
	s7 =	simm.s32 @p2 $0x1082  }
0x22: {  	[simem:s7], [sflag:s8] =	dma.local @!p0 [hbm:s6], $0xF7A  }
0x23: {  	s9 =	sor.u32 $0xD0000000, s2;
	s6 =	simm.s32 $0x108;
	_ =	swait.ge @!p0 [sflag:s8], $0x0  }
0x24: {  	s3 =	sadd.s32 $0x88, s3;
	s6 =	simm.s32 @!p1 $0x1082;
	[sflag:s4] =	ssyncset.s32 $0xFFFFF086  }
0x25: {  	[simem:s6], [sflag:s4] =	dma.local [hbm:s3], $0xF7A  }
0x26: {  	[smem:$0x3F9C] =	sst s1;
	(tag) =	ssettag s2;
	_ =	strace s9  }
0x27: {  	s1 =	sld [smem:$0x3FAC]  }
0x28: {  	s2 =	sld [smem:$0x3FAD]  }
0x29: {  	s4 =	sld [smem:$0x3FAF]  }
0x2a: {  	p0 =	seq.s32 s5, $0x0;
	s5 =	sld [smem:$0x3FB0]  }
0x2b: {  	s6 =	sld [smem:$0x3FB1]  }
0x2c: {  	s7 =	sld [smem:$0x3FB2]  }
0x2d: {  	s3 =	simm.s32 $0x108;
	s8 =	sld [smem:$0x3FB3]  }
0x2e: {  	s3 =	simm.s32 @!p0 $0x1082;
	s9 =	sld [smem:$0x3FB4]  }
0x2f: {  	lr =	sadd.s32 s0, s3;
	s0 =	sld [smem:$0x3FAB]  }
0x30: {  	s3 =	sld [smem:$0x3FAE]  }
0x31: {  	[smem:$0x3FB7] =	sst s10  }
0x32: {  	s10 =	sld [smem:$0x3FB5];
	_ =	sdelay $0x3  }
0x33: {  	p0 =	seq.s32 s10, $0x1;
	s10 =	sld [smem:$0x3FB7];
	_ =	sdelay $0x3  }
0x34: {  	[smem:$0x3FB7] =	sst s10  }
0x35: {  	s10 =	sld [smem:$0x3FB6];
	_ =	sdelay $0x3  }
0x36: {  	p1 =	seq.s32 s10, $0x1;
	s10 =	sld [smem:$0x3FB7];
	_ =	sdelay $0x3  }
0x37: {  	[smem:$0x3FB7] =	sst s10  }
0x38: {  	s10 =	sld [smem:$0x3FB8]  }
0x39: {  	_ = 	snop;
	(pc) =	sbr.ind lr, $3  }
0x3a: {  	_ = 	snop  }
0x3b: {  	_ = 	snop  }
0x3c: {  	p2 =	seq.s32 s10, $0x1;
	s10 =	sld [smem:$0x3FB7]  }
0x3d: {  	_ =	shalt  }
0x3e: {  	_ =	shalt  }
0x3f: {  	_ =	shalt  }
0x40: {  	_ =	shalt  }
0x41: {  	_ =	shalt  }
0x42: {  	_ =	shalt  }
0x43: {  	_ =	shalt  }
0x44: {  	_ =	shalt  }
0x45: {  	_ =	shalt  }
0x46: {  	_ =	shalt  }
0x47: {  	_ =	shalt  }
0x48: {  	_ =	shalt  }
0x49: {  	_ =	shalt  }
0x4a: {  	_ =	shalt  }
0x4b: {  	_ =	shalt  }
0x4c: {  	_ =	shalt  }
0x4d: {  	_ =	shalt  }
0x4e: {  	_ =	shalt  }
0x4f: {  	_ =	shalt  }
0x50: {  	_ =	shalt  }
0x51: {  	_ =	shalt  }
0x52: {  	_ =	shalt  }
0x53: {  	_ =	shalt  }
0x54: {  	_ =	shalt  }
0x55: {  	_ =	shalt  }
0x56: {  	_ =	shalt  }
0x57: {  	_ =	shalt  }
0x58: {  	_ =	shalt  }
0x59: {  	_ =	shalt  }
0x5a: {  	_ =	shalt  }
0x5b: {  	_ =	shalt  }
0x5c: {  	_ =	shalt  }
0x5d: {  	_ =	shalt  }
0x5e: {  	_ =	shalt  }
0x5f: {  	_ =	shalt  }
0x60: {  	_ =	shalt  }
0x61: {  	_ =	shalt  }
0x62: {  	_ =	shalt  }
0x63: {  	_ =	shalt  }
0x64: {  	_ =	shalt  }
0x65: {  	_ =	shalt  }
0x66: {  	_ =	shalt  }
0x67: {  	_ =	shalt  }
0x68: {  	_ =	shalt  }
0x69: {  	_ =	shalt  }
0x6a: {  	_ =	shalt  }
0x6b: {  	_ =	shalt  }
0x6c: {  	_ =	shalt  }
0x6d: {  	_ =	shalt  }
0x6e: {  	_ =	shalt  }
0x6f: {  	_ =	shalt  }
0x70: {  	_ =	shalt  }
0x71: {  	_ =	shalt  }
0x72: {  	_ =	shalt  }
0x73: {  	_ =	shalt  }
0x74: {  	_ =	shalt  }
0x75: {  	_ =	shalt  }
0x76: {  	_ =	shalt  }
0x77: {  	_ =	shalt  }
0x78: {  	_ =	shalt  }
0x79: {  	_ =	shalt  }
0x7a: {  	_ =	shalt  }
0x7b: {  	_ =	shalt  }
0x7c: {  	_ =	shalt  }
0x7d: {  	_ =	shalt  }
0x7e: {  	_ =	shalt  }
0x7f: {  	_ =	shalt  }
0x80: {  	_ =	shalt  }
0x81: {  	_ =	shalt  }
0x82: {  	_ =	shalt  }
0x83: {  	_ =	shalt  }
0x84: {  	_ =	shalt  }
0x85: {  	_ =	shalt  }
0x86: {  	_ =	shalt  }
0x87: {  	_ =	shalt  }
.Lfunc_end0:
.L_simem_size_0:
called_computation_lowered:
.L_overlay_start_0:
0x88: {  	s2 =	sld [smem:$0x3FD9]  }
0x89: {  	s3 =	sld [smem:$0x3FFE];
	_ =	sdelay $0x1  }
0x8a: {  	s1 =	srdreg.scid  }
0x8b: {  	s0 =	sand.u32 $0x1, s1  }
0x8c: {  	s17 =	sshll.u32 s0, $0xA;
	s2 =	sadd.s32 s3, s2  }
0x8d: {  	s2 =	sadd.s32 s2, s17  }
0x8e: {  	[smem:$0x3FC3] =	sst s2  }
0x8f: {  	_ = 	snop  }
0x90: {  	s2 =	sld [smem:$0x3FD0];
	(tm) =	ssettm $0x1  }
0x91: {  	s18 =	sld [smem:$0x3FFB];
	_ =	sdelay $0x3  }
0x92: {  	_ =	strace s18  }
0x93: {  	s3 =	sld [smem:$0x3FFC];
	_ =	sdelay $0x3  }
0x94: {  	_ =	strace s3  }
0x95: {  	s3 =	sld [smem:$0x3FFD];
	_ =	sdelay $0x3  }
0x96: {  	_ =	strace s3  }
0x97: {  	_ =	strace $0x8FFFFFFF  }
0x98: {  	s19 =	sld [smem:$0x3FDB];
	_ =	sdelay $0x1  }
0x99: {  	s4 =	simm.s32 $_scs_section_size  }
0x9a: {  	s5 =	simm.s32 $_size__tile_overlayer_lowered;
	s6 =	simm.s32 $_tile_overlayer_lowered  }
0x9b: {  	s22 =	simm.s32 $0x1BFF;
	s21 =	sshll.u32 s6, $0x1;
	s3 =	sadd.s32 s4, s19  }
0x9c: {  	s7 =	simm.s32 $0x0;
	s20 =	sshll.u32 s5, $0x1;
	s5 =	sadd.s32 s21, s3  }
0x9d: {  	[timem:s7], [sflag:s22] =	dma.local [hbm:s5], s20  }
0x9e: {  	_ =	swait.ge [sflag:s22], s20  }
0x9f: {  	s4 =	ssub.s32 $0x0, s20;
	[sflag:s22] =	ssyncset.done $0x0  }
0xa0: {  	[sflag:s22] =	ssyncadd.s32 s4;
	_ =	sdelay $0x1  }
0xa1: {  	s23 =	simm.s32 $0x1B8B  }
0xa2: {  	_ =	swait.ge [sflag:s23], $0x1  }
0xa3: {  	[sflag:s23] =	ssyncset.done $0x0  }
0xa4: {  	s25 =	simm.s32 $0x1B8E;
	s24 =	sld [smem:$0x3FFE];
	[sflag:s23] =	ssyncadd.s32 $0xFFFFFFFF  }
0xa5: {  	s26 =	simm.s32 $execute0_lowered;
	[smem:$0x3FD2] =	sst s25  }
0xa6: {  	s5 =	sshll.u32 s26, $0x1;
	_ =	strace $0x80000046;
	[dreg:$0x1] =	wrdreg $0xFFFFFFFF  }
0xa7: {  	s28 =	simm.s32 $_size_execute0_lowered;
	s3 =	sadd.s32 s3, s5;
	[dreg:$0x0] =	wrdreg $0x0  }
0xa8: {  	s5 =	sshll.u32 s28, $0x1;
	[dreg:$0x2] =	wrdreg s3  }
0xa9: {  	[dreg:$0x3] =	wrdreg s5  }
0xaa: {  	[dreg:$0x4] =	wrdreg $0xC0  }
0xab: {  	_ =	task [dreg:s7], $0x5FFFF  }
0xac: {  	[dreg:$0x1] =	wrdreg $0xFFFFFFFF  }
0xad: {  	[dreg:$0x0] =	wrdreg $0x60  }
0xae: {  	[dreg:$0x2] =	wrdreg s24  }
0xaf: {  	[dreg:$0x3] =	wrdreg s2  }
0xb0: {  	[dreg:$0x4] =	wrdreg $0x9  }
0xb1: {  	_ =	task.clear_ibuf [dreg:s7], $0x5FFFF;
	_ =	strace $0x90000046  }
0xb2: {  	s29 =	simm.s32 $0x9;
	_ =	strace $0x80000048  }
0xb3: {  	_ =	swait.ge [sflag:s29], $0x1  }
0xb4: {  	[sflag:s29] =	ssyncadd.s32 $0xFFFFFFFF  }
0xb5: {  	_ =	strace $0x90000048  }
0xb6: {  	_ =	sfence  }
0xb7: {  	s30 =	sld [smem:$0x0];
	_ =	sdelay $0x2  }
0xb8: {  	s31 =	sshll.u32 s1, $0xD;
	s1 =	sshrl.u32 s1, $0x2  }
0xb9: {  	s3 =	sand.u32 $0x4000, s31;
	s1 =	sadd.s32 s1, s30  }
0xba: {  	s0 =	sor.u32 s3, s0;
	s1 =	sshll.u32 s1, $0x11  }
0xbb: {  	s0 =	sor.u32 s1, s0  }
0xbc: {  	s0 =	sadd.s32 $0x8F2B, s0  }
0xbd: {  	[sflag:s0] =	ssyncadd.remote.s32 $0x1  }
0xbe: {  	_ =	sfence.sel $0xFFFF  }
0xbf: {  	[dreg:$0x0] =	wrdreg $0xFFFFFFFF;
	(pc) =	sbr.abs _section_cstart, $3  }
0xc0: {  	[dreg:$0x1] =	wrdreg $0xFFFFFFFF  }
0xc1: {  	_ =	task.clear_ibuf [dreg:s7], $0x2FFFF;
	_ =	strace $0x9FFFFFFF  }
0xc2: {  	(tm) =	ssettm $0x7FFFFFFF  }
0xc3: {  	_ =	shalt  }
tec
execute0_lowered:
.L_overlay_start_1:
0x0: {  	(tag) =	ssettag $0x1  }
0x1: {  	s1 =	srdreg.scid;
	s5 =	rddreg [dreg:$0x0]  }
0x2: {  	s0 =	stileid.u32;
	s2 =	rddreg [dreg:$0x1];
	s6 =	simm.s32 $0x1  }
0x3: {  	s9 =	simm.s32 $0x1;
	s10 =	simm.s32 $0x3;
	s1 =	sshll.u32 s1, $0x7  }
0x4: {  	s13 =	simm.s32 $0x0;
	s3 =	sshll.u32 s0, $0x8;
	s4 =	sand.u32 $0x80, s1  }
0x5: {  	s12 =	simm.s32 $0x0;
	s1 =	rddreg [dreg:$0x2];
	s3 =	sor.u32 s3, s4  }
0x6: {  	_ =	strace $0x80000047;
	s4 =	sadd.s32 $0xC00, s5;
	s8 =	ssub.s32 $0x2000, s3  }
.Ltmp0:
0x7: {  	s5 =	sadd.s32 $0x1E00, s5;
	s7 =	sand.u32 $0xF80, s8;
	(pc) =	sbr.rel .LBB2_1-.Ltmp0, $4  }
0x8: {  	[sflag:s6] =	ssyncpa.u1 $0x0;
	s11 =	smov.u32 s3;
	p0 =	sne.s32 s7, $0x0  }
0x9: {  	s8 =	sshrl.u32 s8, $0xC;
	s7 =	simm.s32 $0x2;
	s9 =	simm.s32 @!p0 $0x0  }
0xa: {  	[sflag:s7] =	ssyncpa.u1 $0x0;
	p0 =	por $0x0, $0x0;
	s8 =	sadd.s32 s9, s8  }
0xb: {  	vm0 =	vmmov $0xffff;
	[sflag:s10] =	ssyncpa.u1 $0x0;
	s10 =	simm.s32 $0x0;
	s9 =	sadd.s32 $0x1, s8  }
.LBB2_4:
0xc: {  	v2 =	vnsel vm1, $0x0, v2  }
0xd: {  	vm1 =	vgt.s32 v0, $0x0;
	v2 =	vmin.u32 v2, $0x87FF  }
0xe: {  	v0 =	vnsel vm1, $0x0, v0  }
0xf: {  	v0 =	vmin.u32 v0, $0x87FF  }
0x10: {  	[tilespmem:s15], [sflag:$0x1] =	stream.indirect_vreg.gather [hbm4b:s4+s10], $0x1, v1, vm0, $0x4038;
	[tilespmem:$0x200] =	vst v63  }
0x11: {  	(ifvalue) =	ssetifvalue $0x7FFFFFFF  }
0x12: {  	[tilespmem:s16], [sflag:$0x1] =	stream.indirect_vreg.gather [hbm4b:s4+s10], $0x1, v2, vm0, $0x4038;
	[tilespmem:$0x200] =	vst v63  }
0x13: {  	s29 =	sadd.s32 $0x10, s16;
	(ifvalue) =	ssetifvalue $0x7FFFFFFF  }
0x14: {  	[tilespmem:s29], [sflag:$0x1] =	stream.indirect_vreg.gather [hbm4b:s4+s10], $0x1, v0, vm0, $0x4038;
	[tilespmem:$0x200] =	vst v63  }
0x15: {  	_ =	swait.ge [sflag:s6], $0x80  }
0x16: {  	s30 =	sshrl.u32 s13, $0x3;
	[sflag:s6] =	ssyncset.done $0x0  }
0x17: {  	s31 =	sand.u32 $0x7, s13;
	s15 =	sadd.s32 s5, s30;
	[sflag:s6] =	ssyncadd.s32 $0xFFFFFF80  }
0x18: {  	[hbm4b:s15+s31] =	stream.linear.scatter [tilespmem:s14], [sflag:$0x3], $0x80, $0x38;
	[tilespmem:$0x200] =	vst v63  }
.LBB2_5:
0x19: {  	s15 =	sadd.s32 $0x1000, s11  }
0x1a: {  	p2 =	sgt.s32 s15, $0x1FFF  }
0x1b: {  	s15 =	smov.u32 @p2 s3;
	p2 =	sne.s32 s12, s9  }
.Ltmp1:
0x1c: {  	p1 =	slt.u32 s12, $0x2;
	(pc) =	sbr.rel @!p2 .LBB2_6-.Ltmp1, $4  }
0x1d: {  	s14 =	simm.s32 @!p1 $0x3  }
0x1e: {  	s16 =	sadd.s32 $0x1, s12;
	_ =	swait.ge @!p1 [sflag:s14], $0x80  }
0x1f: {  	s13 =	smov.u32 s11;
	p0 =	por !p0, !p0;
	[sflag:s14] =	ssyncset.done @!p1 $0x0  }
0x20: {  	s12 =	smov.u32 s16;
	s11 =	smov.u32 s15;
	[sflag:s14] =	ssyncadd.s32 @!p1 $0xFFFFFF80  }
.LBB2_1:
0x21: {  	p1 =	sge.u32 s12, s8  }
0x22: {  	s14 =	sxor.u32 @!p1 $0xFFFFFFFF, s12  }
0x23: {  	s31 =	sadd.s32 $0xFFFFFFFF, s12;
	s15 =	sshrl.u32 @!p1 s11, $0x3;
	s14 =	sshll.u32 @!p1 s14, $0x7  }
0x24: {  	s16 =	sand.u32 @!p1 $0x7, s11;
	s15 =	sadd.s32 @!p1 s2, s15;
	s14 =	sand.u32 @!p1 $0x80, s14  }
0x25: {  	[tilespmem:s14], [sflag:$0x2] =	stream.linear.gather @!p1 [hbm4b:s15+s16], $0x80, $0x38;
	[tilespmem:$0x200] =	vst v63  }
0x26: {  	p1 =	sge.u32 s31, s8  }
.Ltmp2:
0x27: {  	_ = 	snop;
	(pc) =	sbr.rel @p1 .LBB2_5-.Ltmp2, $1  }
0x28: {  	_ =	sdelay $0x3  }
0x29: {  	s14 =	simm.s32 $0x1  }
0x2a: {  	_ =	swait.ge [sflag:s7], $0x80;
	s14 =	simm.s32 @!p0 $0x0  }
0x2b: {  	[sflag:s7] =	ssyncset.done $0x0;
	s14 =	sshll.u32 s14, $0x7  }
0x2c: {  	[sflag:s7] =	ssyncadd.s32 $0xFFFFFF80;
	(ifvalue) =	ssetifvalue $0x7FFFFFFF;
	v0 =	vld.msk [tilespmem:s14+$0x0 ss:$0x1], $0xffff;
	_ =	sdelay $0x4  }
0x2d: {  	s15 =	sadd.s32 $0x10, s14;
	vm1 =	vgt.s32 v0, $0x0  }
0x2e: {  	v2 =	vld.msk [tilespmem:s15+$0x0 ss:$0x1], $0xffff;
	v1 =	vnsel vm1, $0x0, v0  }
0x2f: {  	v1 =	vmin.u32 v1, $0x87FF;
	_ =	sdelay $0x1  }
0x30: {  	s16 =	sshll.u32 s12, $0x7;
	s18 =	simm.s32 $0x20  }
0x31: {  	s16 =	sand.u32 $0x80, s16;
	s17 =	sadd.s32 $0x10, s15;
	s15 =	sor.u32 $0x100, s14  }
0x32: {  	s14 =	sor.u32 $0x100, s16;
	s16 =	sadd.s32 $0x10, s15;
	v0 =	vld.msk [tilespmem:s17+$0x0 ss:$0x1], $0xffff;
	vm1 =	vgt.s32 v2, $0x0;
	(ifvalue) =	ssetifvalue $0x7FFFFFFF  }
.LBB2_3:
0x33: {  	[tilespmem:s15], [sflag:$0x1] =	stream.indirect_vreg.gather [hbm4b:s4+s10], $0x1, v1, vm0, $0x4038;
	[tilespmem:$0x200] =	vst v63  }
0x34: {  	s18 =	sadd.s32 $0x10, s18  }
0x35: {  	v2 =	vnsel vm1, $0x0, v2;
	p1 =	slt.u32 s18, $0x70  }
.Ltmp3:
0x36: {  	s15 =	smov.u32 s16;
	v1 =	vmin.u32 v2, $0x87FF;
	(pc) =	sbr.rel @p1 .LBB2_3-.Ltmp3, $3  }
0x37: {  	_ =	sdelay $0x1  }
0x38: {  	s17 =	sadd.s32 $0x10, s17  }
0x39: {  	vm1 =	vgt.s32 v0, $0x0;
	s16 =	sadd.s32 $0x10, s16;
	v2 =	vmov v0;
	(ifvalue) =	ssetifvalue $0x7FFFFFFF;
	v0 =	vld.msk [tilespmem:s17+$0x0 ss:$0x1], $0xffff  }
.Ltmp4:
0x3a: {  	_ = 	snop;
	(pc) =	sbr.rel .LBB2_4-.Ltmp4, $1  }
0x3b: {  	_ =	sdelay $0x3  }
.LBB2_6:
0x3c: {  	_ =	sfence.sel $0x180000  }
0x3d: {  	s2 =	simm.s32 $0x2;
	[bflag:$0x0] =	sbarrier.arrive $0xFFFF  }
0x3e: {  	s30 =	simm.s32 $0x3;
	[sflag:s2] =	ssyncpa.u1 $0x1  }
0x3f: {  	s31 =	simm.s32 $0x1;
	[sflag:s30] =	ssyncpa.u1 $0x1  }
0x40: {  	[sflag:s31] =	ssyncpa.u1 $0x1  }
0x41: {  	p0 =	sne.s32 s0, $0x0;
	_ =	strace $0x90000047  }
0x42: {  	s0 =	sadd.s32 @!p0 $0x100000, s1;
	[bflag:$0x2] =	sbarrier.arrive $0xFFFF  }
0x43: {  	[sflag:s0] =	ssyncadd.tile.s32 @!p0 $0x1;
	_ =	shalt  }
.Lfunc_end2:
_tile_overlayer_lowered:
.L_overlay_start_2:
0x44: {  	(tag) =	ssettag $0x2  }
0x45: {  	s0 =	rddreg [dreg:$0x0];
	s2 =	stileid.u32  }
0x46: {  	s1 =	rddreg [dreg:$0x1];
	p0 =	sne.s32 s2, $0x0  }
0x47: {  	s3 =	rddreg [dreg:$0x2];
	[bflag:$0x3] =	sbarrier.arrive $0xFFFF;
	s2 =	simm.s32 @!p0 $0x1C01  }
0x48: {  	[timem:s3], [sflag:s2] =	dma.local @!p0 [hbm:s0], s1  }
0x49: {  	s0 =	simm.s32 @!p0 $0x1  }
0x4a: {  	_ =	swait.ge @!p0 [sflag:s0], s1  }
0x4b: {  	s1 =	ssub.s32 @!p0 $0x0, s1;
	[sflag:s0] =	ssyncset.done @!p0 $0x0  }
0x4c: {  	[sflag:s0] =	ssyncadd.s32 @!p0 s1  }
0x4d: {  	[bflag:$0x3] =	sbarrier.arrive $0xFFFF  }
0x4e: {  	_ =	shalt  }

</sc_bundles>
